<compile_context>
chip_gen: v7x
topology: tpu7x:2x2x1
jax: 0.10.2.dev20260603
libtpu: 0.0.44.dev20260713+nightly
codegen_flags: <defaults>
</compile_context>

<pallas_src>
import functools

import jax
import jax.numpy as jnp
from jax import lax
from jax.experimental import pallas as pl
from jax.experimental.pallas import tpu as pltpu
from jax.experimental.pallas import tpu_sc as plsc

_CPAD = 32



def _seg_body(c, h, w, f_ref, l_ref, out_ref, acc):
    step = pl.program_id(0) * pl.num_programs(1) + pl.program_id(1)
    nsteps = pl.num_programs(0) * pl.num_programs(1)

    @pl.when(step == 0)
    def _init():
        acc[...] = jnp.zeros_like(acc)

    f = jnp.concatenate(
        [f_ref[i].reshape(c, h * w) for i in range(f_ref.shape[0])],
        axis=1)
    labs = jnp.concatenate(
        [l_ref[i].reshape(1, h * w) for i in range(l_ref.shape[0])],
        axis=1)

    klass = lax.broadcasted_iota(jnp.int32, (_CPAD, labs.shape[1]), 0)
    m = (klass == labs).astype(jnp.float32)

    rowsq = jnp.sum(f * f, axis=0, keepdims=True)
    g = jnp.concatenate([f, rowsq], axis=0)
    acc[...] += lax.dot_general(
        g, m, (((1,), (1,)), ((), ())),
        preferred_element_type=jnp.float32)

    @pl.when(step == nsteps - 1)
    def _finish():
        out_ref[...] = acc[...]


_BB = 2


def _tc_segment_sums(features, labs4d):
    b, c, h, w = features.shape
    return pl.pallas_call(
        functools.partial(_seg_body, c, h, w),
        grid=(b // _BB, 1),
        in_specs=[
            pl.BlockSpec((_BB, c, h, w), lambda i, j: (i, 0, 0, 0)),
            pl.BlockSpec((_BB, 1, h, w), lambda i, j: (i, 0, 0, 0)),
        ],
        out_specs=pl.BlockSpec((c + 1, _CPAD), lambda i, j: (0, 0)),
        out_shape=jax.ShapeDtypeStruct((c + 1, _CPAD), jnp.float32),
        scratch_shapes=[
            pltpu.VMEM((c + 1, _CPAD), jnp.float32),
        ],
    )(features, labs4d)



_NC = 2
_NS = 16
_NW = _NC * _NS
_LANES = 16


def _sc_counts(labs_flat):
    n = labs_flat.shape[0]
    per_w = n // _NW
    mesh = plsc.VectorSubcoreMesh(core_axis_name="c", subcore_axis_name="s")

    @functools.partial(
        pl.kernel,
        mesh=mesh,
        out_type=jax.ShapeDtypeStruct((_NW, 128), jnp.float32),
        scratch_types=[
            pltpu.VMEM((per_w,), jnp.int32),
            pltpu.VMEM((128,), jnp.float32),
        ],
        compiler_params=pltpu.CompilerParams(needs_layout_passes=False),
    )
    def hist(labels_hbm, out_hbm, lab_v, acc_v):
        wid = lax.axis_index("s") * _NC + lax.axis_index("c")
        base = wid * per_w
        pltpu.sync_copy(labels_hbm.at[pl.ds(base, per_w)], lab_v)
        for z in range(8):
            acc_v[pl.ds(z * _LANES, _LANES)] = jnp.zeros((_LANES,), jnp.float32)
        ones = jnp.ones((_LANES,), jnp.float32)

        def body(i, carry):
            lab = lab_v[pl.ds(i * _LANES, _LANES)]
            plsc.addupdate_scatter(acc_v, [lab], ones)
            return carry

        lax.fori_loop(0, per_w // _LANES, body, 0)
        pltpu.sync_copy(acc_v, out_hbm.at[wid])

    return hist(labs_flat)


def kernel(features, labels, prototypes):
    b, c, h, w = features.shape
    ncls = prototypes.shape[0]

    labs4d = labels.astype(jnp.int32).reshape(b, 1, h, w)
    labs_flat = labels.astype(jnp.int32).reshape(b * h * w)

    part = _sc_counts(labs_flat)
    sq = _tc_segment_sums(features, labs4d)

    n = jnp.sum(part, axis=0)[:ncls]
    s = sq[:c, :ncls]
    q = sq[c, :ncls]

    ps = jnp.sum(prototypes.T * s, axis=0)
    pp = jnp.sum(prototypes * prototypes, axis=1)
    present = n > 0.0
    denom = jnp.where(present, n, 1.0) * jnp.float32(c)
    term = jnp.where(present, (q + n * pp - 2.0 * ps) / denom, 0.0)
    return jnp.sum(term) / jnp.sum(present.astype(jnp.float32))

# --- scband reference (transcript-rebuilt; emitter-appended) ---
"""Pipeline reference for scband-feature-clustering-loss-53137335386660 (READ-ONLY COPY).

The authoritative reference and input builder live on the scoring server;
editing this copy changes nothing except your own understanding.
"""

import jax, jax.numpy as jnp
import numpy as np


def setup_inputs(seed: int = 0):
    key = jax.random.key(seed)
    k1, k2, k3 = jax.random.split(key, 3)
    features = jax.random.normal(k1, (8, 96, 128, 128), dtype=jnp.float32)
    labels = jax.random.randint(k2, (8, 128, 128), 0, 21, dtype=jnp.int32).astype(jnp.int64)
    prototypes = jax.random.normal(k3, (21, 96), dtype=jnp.float32)
    return {"features": features, "labels": labels, "prototypes": prototypes}


def reference(features, labels, prototypes):
    factor = 1.0
    b, c, h, w = features.shape
    # nearest-neighbor resize of labels to (h, w): label map already at (h, w) -> identity
    labels_r = labels
    num_classes = prototypes.shape[0]
    feats = jnp.transpose(features, (0, 2, 3, 1)).reshape(-1, c)
    labs = labels_r.reshape(-1)
    loss = jnp.asarray(0.0, dtype=jnp.float32)
    count = jnp.asarray(0.0, dtype=jnp.float32)
    for cl in range(num_classes):
        mask = (labs == cl).astype(jnp.float32)
        n = mask.sum()
        present = n > 0
        diff = feats - prototypes[cl][None, :]
        # MSELoss over the n_cl x c masked block == masked sum of squares / (n_cl * c)
        term = (diff * diff * mask[:, None]).sum() / (jnp.where(present, n, 1.0) * c)
        loss = loss + jnp.where(present, term, 0.0)
        count = count + present.astype(jnp.float32)
    loss = loss / count
    return factor * loss

if __name__ == "__main__":
    import jax
    _d = setup_inputs()
    print(jax.jit(kernel)(*tuple(_d.values())))

</pallas_src>

<mosaic_0001>
#map = affine_map<(d0, d1) -> (0)>
#map1 = affine_map<(d0, d1) -> (0, 0)>
module attributes {stable_mosaic.version = 14 : i64} {
  func.func @hist(%arg0: i32, %arg1: i32, %arg2: memref<131072xi32, #tpu.memory_space<hbm>>, %arg3: memref<32x128xf32, #tpu.memory_space<hbm>>, %arg4: memref<4096xi32, #tpu.memory_space<vmem>>, %arg5: memref<128xf32, #tpu.memory_space<vmem>>) attributes {dimension_semantics = [#tpu.dimension_semantics<core_parallel>, #tpu.dimension_semantics<subcore_parallel>], iteration_bounds = array<i64: 2, 16>, scalar_prefetch = 0 : i64, scratch_operands = 2 : i64, tpu.core_type = #tpu.core_type<sc_vector_subcore>, window_params = [{transform_indices = #map}, {transform_indices = #map1}]} {
    %mul3A = arith.constant 2 : i32
    %mul3A_0 = arith.muli %arg1, %mul3A : i32
    %add3A = arith.addi %mul3A_0, %arg0 : i32
    %mul3A_1 = arith.constant 4096 : i32
    %mul3A_2 = arith.muli %add3A, %mul3A_1 : i32
    "tpu.region"() ({
      %run_scoped3A = tpu.sem_alloc : memref<!tpu.dma_semaphore, #tpu.memory_space<semaphore_mem>>
      %dma_start3A = tpu.memref_slice %arg2[%mul3A_2] : memref<131072xi32, #tpu.memory_space<hbm>> -> memref<4096xi32, #tpu.memory_space<hbm>>
      %dma_start3A_40 = tpu.memref_slice %arg2[%mul3A_2] : memref<131072xi32, #tpu.memory_space<hbm>> -> memref<4096xi32, #tpu.memory_space<hbm>>
      tpu.enqueue_dma source(%dma_start3A_40 : memref<4096xi32, #tpu.memory_space<hbm>>) target(%arg4 : memref<4096xi32, #tpu.memory_space<vmem>>) target_semaphore(%run_scoped3A : memref<!tpu.dma_semaphore, #tpu.memory_space<semaphore_mem>>)
      %dma_wait3A = tpu.memref_slice %arg2[%mul3A_2] : memref<131072xi32, #tpu.memory_space<hbm>> -> memref<4096xi32, #tpu.memory_space<hbm>>
      %dma_wait3A_41 = tpu.memref_slice %arg2[%mul3A_2] : memref<131072xi32, #tpu.memory_space<hbm>> -> memref<4096xi32, #tpu.memory_space<hbm>>
      tpu.wait_dma2 semaphore(%run_scoped3A : memref<!tpu.dma_semaphore, #tpu.memory_space<semaphore_mem>>) src(%dma_wait3A_41 : memref<4096xi32, #tpu.memory_space<hbm>>) dst(%arg4 : memref<4096xi32, #tpu.memory_space<vmem>>)
      tpu.yield
    }) : () -> ()
    %broadcast_in_dim3A = arith.constant 0.000000e+00 : f32
    %broadcast_in_dim3A_3 = vector.broadcast %broadcast_in_dim3A : f32 to vector<16xf32>
    %swap3A = arith.constant 0 : index
    %swap3A_4 = tpu.vector_load %arg5[%swap3A] {strides = array<i32>} : memref<128xf32, #tpu.memory_space<vmem>>, vector<16xf32>,
    tpu.vector_store %arg5[%swap3A], %broadcast_in_dim3A_3 {strides = array<i32>} : memref<128xf32, #tpu.memory_space<vmem>>, vector<16xf32>,
    %broadcast_in_dim3A_5 = arith.constant 0.000000e+00 : f32
    %broadcast_in_dim3A_6 = vector.broadcast %broadcast_in_dim3A_5 : f32 to vector<16xf32>
    %swap3A_7 = arith.constant 16 : index
    %swap3A_8 = tpu.vector_load %arg5[%swap3A_7] {strides = array<i32>} : memref<128xf32, #tpu.memory_space<vmem>>, vector<16xf32>,
    tpu.vector_store %arg5[%swap3A_7], %broadcast_in_dim3A_6 {strides = array<i32>} : memref<128xf32, #tpu.memory_space<vmem>>, vector<16xf32>,
    %broadcast_in_dim3A_9 = arith.constant 0.000000e+00 : f32
    %broadcast_in_dim3A_10 = vector.broadcast %broadcast_in_dim3A_9 : f32 to vector<16xf32>
    %swap3A_11 = arith.constant 32 : index
    %swap3A_12 = tpu.vector_load %arg5[%swap3A_11] {strides = array<i32>} : memref<128xf32, #tpu.memory_space<vmem>>, vector<16xf32>,
    tpu.vector_store %arg5[%swap3A_11], %broadcast_in_dim3A_10 {strides = array<i32>} : memref<128xf32, #tpu.memory_space<vmem>>, vector<16xf32>,
    %broadcast_in_dim3A_13 = arith.constant 0.000000e+00 : f32
    %broadcast_in_dim3A_14 = vector.broadcast %broadcast_in_dim3A_13 : f32 to vector<16xf32>
    %swap3A_15 = arith.constant 48 : index
    %swap3A_16 = tpu.vector_load %arg5[%swap3A_15] {strides = array<i32>} : memref<128xf32, #tpu.memory_space<vmem>>, vector<16xf32>,
    tpu.vector_store %arg5[%swap3A_15], %broadcast_in_dim3A_14 {strides = array<i32>} : memref<128xf32, #tpu.memory_space<vmem>>, vector<16xf32>,
    %broadcast_in_dim3A_17 = arith.constant 0.000000e+00 : f32
    %broadcast_in_dim3A_18 = vector.broadcast %broadcast_in_dim3A_17 : f32 to vector<16xf32>
    %swap3A_19 = arith.constant 64 : index
    %swap3A_20 = tpu.vector_load %arg5[%swap3A_19] {strides = array<i32>} : memref<128xf32, #tpu.memory_space<vmem>>, vector<16xf32>,
    tpu.vector_store %arg5[%swap3A_19], %broadcast_in_dim3A_18 {strides = array<i32>} : memref<128xf32, #tpu.memory_space<vmem>>, vector<16xf32>,
    %broadcast_in_dim3A_21 = arith.constant 0.000000e+00 : f32
    %broadcast_in_dim3A_22 = vector.broadcast %broadcast_in_dim3A_21 : f32 to vector<16xf32>
    %swap3A_23 = arith.constant 80 : index
    %swap3A_24 = tpu.vector_load %arg5[%swap3A_23] {strides = array<i32>} : memref<128xf32, #tpu.memory_space<vmem>>, vector<16xf32>,
    tpu.vector_store %arg5[%swap3A_23], %broadcast_in_dim3A_22 {strides = array<i32>} : memref<128xf32, #tpu.memory_space<vmem>>, vector<16xf32>,
    %broadcast_in_dim3A_25 = arith.constant 0.000000e+00 : f32
    %broadcast_in_dim3A_26 = vector.broadcast %broadcast_in_dim3A_25 : f32 to vector<16xf32>
    %swap3A_27 = arith.constant 96 : index
    %swap3A_28 = tpu.vector_load %arg5[%swap3A_27] {strides = array<i32>} : memref<128xf32, #tpu.memory_space<vmem>>, vector<16xf32>,
    tpu.vector_store %arg5[%swap3A_27], %broadcast_in_dim3A_26 {strides = array<i32>} : memref<128xf32, #tpu.memory_space<vmem>>, vector<16xf32>,
    %broadcast_in_dim3A_29 = arith.constant 0.000000e+00 : f32
    %broadcast_in_dim3A_30 = vector.broadcast %broadcast_in_dim3A_29 : f32 to vector<16xf32>
    %swap3A_31 = arith.constant 112 : index
    %swap3A_32 = tpu.vector_load %arg5[%swap3A_31] {strides = array<i32>} : memref<128xf32, #tpu.memory_space<vmem>>, vector<16xf32>,
    tpu.vector_store %arg5[%swap3A_31], %broadcast_in_dim3A_30 {strides = array<i32>} : memref<128xf32, #tpu.memory_space<vmem>>, vector<16xf32>,
    %broadcast_in_dim3A_33 = arith.constant 1.000000e+00 : f32
    %broadcast_in_dim3A_34 = vector.broadcast %broadcast_in_dim3A_33 : f32 to vector<16xf32>
    %scan3A = arith.constant 0 : i32
    %scan3A_35 = arith.constant 0 : i32
    %scan3A_36 = arith.constant 256 : i32
    %scan3A_37 = arith.addi %scan3A_35, %scan3A_36 : i32
    %scan3A_38 = arith.constant 1 : i32
    scf.for %scan3A_40 = %scan3A_35 to %scan3A_37 step %scan3A_38  : i32 {
      %mul3A_41 = arith.constant 16 : i32
      %mul3A_42 = arith.muli %scan3A_40, %mul3A_41 : i32
      %get3A = arith.index_cast %mul3A_42 : i32 to index
      %get3A_43 = tpu.vector_load %arg4[%get3A] {strides = array<i32>} : memref<4096xi32, #tpu.memory_space<vmem>>, vector<16xi32>,
      tpu.vector_store_idx %arg5[%get3A_43], %broadcast_in_dim3A_34 {add = true} : memref<128xf32, #tpu.memory_space<vmem>>[vector<16xi32>], vector<16xf32>,
    }
    %scan3A_39 = arith.constant 256 : i32
    "tpu.region"() ({
      %run_scoped3A = tpu.sem_alloc : memref<!tpu.dma_semaphore, #tpu.memory_space<semaphore_mem>>
      %dma_start3A = arith.constant 0 : i32
      %dma_start3A_40 = tpu.memref_slice %arg3[%add3A, %dma_start3A] : memref<32x128xf32, #tpu.memory_space<hbm>> -> memref<1x128xf32, #tpu.memory_space<hbm>>
      %dma_start3A_41 = tpu.memref_squeeze %dma_start3A_40 : memref<1x128xf32, #tpu.memory_space<hbm>> -> memref<128xf32, #tpu.memory_space<hbm>>
      %dma_start3A_42 = arith.constant 0 : i32
      %dma_start3A_43 = tpu.memref_slice %arg3[%add3A, %dma_start3A_42] : memref<32x128xf32, #tpu.memory_space<hbm>> -> memref<1x128xf32, #tpu.memory_space<hbm>>
      %dma_start3A_44 = tpu.memref_squeeze %dma_start3A_43 : memref<1x128xf32, #tpu.memory_space<hbm>> -> memref<128xf32, #tpu.memory_space<hbm>>
      tpu.enqueue_dma source(%arg5 : memref<128xf32, #tpu.memory_space<vmem>>) target(%dma_start3A_44 : memref<128xf32, #tpu.memory_space<hbm>>) target_semaphore(%run_scoped3A : memref<!tpu.dma_semaphore, #tpu.memory_space<semaphore_mem>>)
      %dma_wait3A = arith.constant 0 : i32
      %dma_wait3A_45 = tpu.memref_slice %arg3[%add3A, %dma_wait3A] : memref<32x128xf32, #tpu.memory_space<hbm>> -> memref<1x128xf32, #tpu.memory_space<hbm>>
      %dma_wait3A_46 = tpu.memref_squeeze %dma_wait3A_45 : memref<1x128xf32, #tpu.memory_space<hbm>> -> memref<128xf32, #tpu.memory_space<hbm>>
      %dma_wait3A_47 = arith.constant 0 : i32
      %dma_wait3A_48 = tpu.memref_slice %arg3[%add3A, %dma_wait3A_47] : memref<32x128xf32, #tpu.memory_space<hbm>> -> memref<1x128xf32, #tpu.memory_space<hbm>>
      %dma_wait3A_49 = tpu.memref_squeeze %dma_wait3A_48 : memref<1x128xf32, #tpu.memory_space<hbm>> -> memref<128xf32, #tpu.memory_space<hbm>>
      tpu.wait_dma2 semaphore(%run_scoped3A : memref<!tpu.dma_semaphore, #tpu.memory_space<semaphore_mem>>) src(%arg5 : memref<128xf32, #tpu.memory_space<vmem>>) dst(%dma_wait3A_49 : memref<128xf32, #tpu.memory_space<hbm>>)
      tpu.yield
    }) : () -> ()
    return
  }
}

module attributes {stable_mosaic.version = 14 : i64} {
  func.func @_seg_body(%arg0: i32, %arg1: i32, %arg2: memref<2x96x128x128xf32, #tpu.memory_space<vmem>>, %arg3: memref<2x1x128x128xi32, #tpu.memory_space<vmem>>, %arg4: memref<97x32xf32, #tpu.memory_space<vmem>>, %arg5: memref<97x32xf32, #tpu.memory_space<vmem>>) attributes {dimension_semantics = [#tpu.dimension_semantics<arbitrary>, #tpu.dimension_semantics<arbitrary>], iteration_bounds = array<i64: 4, 1>, scalar_prefetch = 0 : i64, scratch_operands = 1 : i64, tpu.core_type = #tpu.core_type<tc>, window_params = [{transform_indices = @transform_0, window_bounds = array<i64: 2, 96, 128, 128>}, {transform_indices = @transform_1, window_bounds = array<i64: 2, 1, 128, 128>}, {pipeline_mode = #tpu.pipeline_mode<synchronous>, transform_indices = @transform_2, window_bounds = array<i64: 97, 32>}]} {
    %mul3A = arith.constant 1 : i32
    %mul3A_0 = arith.muli %arg0, %mul3A : i32
    %add3A = arith.addi %mul3A_0, %arg1 : i32
    %eq3A = arith.constant 0 : i32
    %eq3A_1 = arith.cmpi eq, %add3A, %eq3A : i32
    %convert_element_type3A = arith.extui %eq3A_1 : i1 to i32
    %cond3A = arith.constant 0 : i32
    %cond3A_2 = arith.cmpi ne, %convert_element_type3A, %cond3A : i32
    scf.if %cond3A_2 {
      %broadcast_in_dim3A_49 = arith.constant 0.000000e+00 : f32
      %broadcast_in_dim3A_50 = vector.broadcast %broadcast_in_dim3A_49 : f32 to vector<97x32xf32>
      %swap3A_51 = arith.constant 0 : index
      %swap3A_52 = arith.constant 0 : index
      %swap3A_53 = vector.load %arg5[%swap3A_51, %swap3A_52] : memref<97x32xf32, #tpu.memory_space<vmem>>, vector<97x32xf32>
      tpu.vector_store %arg5[%swap3A_51, %swap3A_52], %broadcast_in_dim3A_50 {strides = array<i32>} : memref<97x32xf32, #tpu.memory_space<vmem>>, vector<97x32xf32>,
    } else {
    }
    %get3A = arith.constant 0 : index
    %get3A_3 = arith.constant 0 : index
    %get3A_4 = arith.constant 0 : index
    %get3A_5 = arith.constant 0 : index
    %get3A_6 = vector.load %arg2[%get3A, %get3A_3, %get3A_4, %get3A_5] : memref<2x96x128x128xf32, #tpu.memory_space<vmem>>, vector<1x96x128x128xf32>
    %get3A_7 = vector.shape_cast %get3A_6 : vector<1x96x128x128xf32> to vector<96x128x128xf32>
    %reshape3A = vector.shape_cast %get3A_7 : vector<96x128x128xf32> to vector<96x16384xf32>
    %get3A_8 = arith.constant 1 : index
    %get3A_9 = arith.constant 0 : index
    %get3A_10 = arith.constant 0 : index
    %get3A_11 = arith.constant 0 : index
    %get3A_12 = vector.load %arg2[%get3A_8, %get3A_9, %get3A_10, %get3A_11] : memref<2x96x128x128xf32, #tpu.memory_space<vmem>>, vector<1x96x128x128xf32>
    %get3A_13 = vector.shape_cast %get3A_12 : vector<1x96x128x128xf32> to vector<96x128x128xf32>
    %reshape3A_14 = vector.shape_cast %get3A_13 : vector<96x128x128xf32> to vector<96x16384xf32>
    %concatenate3A = tpu.concatenate %reshape3A, %reshape3A_14 in 1 : vector<96x16384xf32>, vector<96x16384xf32> -> vector<96x32768xf32>
    %get3A_15 = arith.constant 0 : index
    %get3A_16 = arith.constant 0 : index
    %get3A_17 = arith.constant 0 : index
    %get3A_18 = arith.constant 0 : index
    %get3A_19 = vector.load %arg3[%get3A_15, %get3A_16, %get3A_17, %get3A_18] : memref<2x1x128x128xi32, #tpu.memory_space<vmem>>, vector<1x1x128x128xi32>
    %get3A_20 = vector.shape_cast %get3A_19 : vector<1x1x128x128xi32> to vector<1x128x128xi32>
    %reshape3A_21 = vector.shape_cast %get3A_20 : vector<1x128x128xi32> to vector<1x16384xi32>
    %get3A_22 = arith.constant 1 : index
    %get3A_23 = arith.constant 0 : index
    %get3A_24 = arith.constant 0 : index
    %get3A_25 = arith.constant 0 : index
    %get3A_26 = vector.load %arg3[%get3A_22, %get3A_23, %get3A_24, %get3A_25] : memref<2x1x128x128xi32, #tpu.memory_space<vmem>>, vector<1x1x128x128xi32>
    %get3A_27 = vector.shape_cast %get3A_26 : vector<1x1x128x128xi32> to vector<1x128x128xi32>
    %reshape3A_28 = vector.shape_cast %get3A_27 : vector<1x128x128xi32> to vector<1x16384xi32>
    %concatenate3A_29 = tpu.concatenate %reshape3A_21, %reshape3A_28 in 1 : vector<1x16384xi32>, vector<1x16384xi32> -> vector<1x32768xi32>
    %iota3A = tpu.iota {dimensions = array<i32: 0>} : vector<32x32768xi32>
    %eq3A_30 = vector.broadcast %concatenate3A_29 : vector<1x32768xi32> to vector<32x32768xi32>
    %eq3A_31 = arith.cmpi eq, %iota3A, %eq3A_30 : vector<32x32768xi32>
    %convert_element_type3A_32 = arith.extui %eq3A_31 : vector<32x32768xi1> to vector<32x32768xi32>
    %convert_element_type3A_33 = arith.sitofp %convert_element_type3A_32 : vector<32x32768xi32> to vector<32x32768xf32>
    %mul3A_34 = arith.mulf %concatenate3A, %concatenate3A : vector<96x32768xf32>
    %reduce_sum3A = arith.constant dense<0.000000e+00> : vector<32768xf32>
    %reduce_sum3A_35 = vector.multi_reduction <add>, %mul3A_34, %reduce_sum3A [0] : vector<96x32768xf32> to vector<32768xf32>
    %broadcast_in_dim3A = vector.shape_cast %reduce_sum3A_35 : vector<32768xf32> to vector<1x32768xf32>
    %concatenate3A_36 = tpu.concatenate %concatenate3A, %broadcast_in_dim3A in 0 : vector<96x32768xf32>, vector<1x32768xf32> -> vector<97x32768xf32>
    %get3A_37 = arith.constant 0 : index
    %get3A_38 = arith.constant 0 : index
    %get3A_39 = vector.load %arg5[%get3A_37, %get3A_38] : memref<97x32xf32, #tpu.memory_space<vmem>>, vector<97x32xf32>
    %dot_general3A = arith.constant dense<0.000000e+00> : vector<97x32xf32>
    %dot_general3A_40 = tpu.matmul %concatenate3A_36, %convert_element_type3A_33, %dot_general3A {dimension_numbers = #tpu.dot_dimension_numbers<[1], [1], [0], [0], [0, 0, 1, 0], [], []>, transpose_lhs_hint = false} : vector<97x32768xf32>, vector<32x32768xf32>, vector<97x32xf32> -> vector<97x32xf32>
    %add3A_41 = arith.addf %get3A_39, %dot_general3A_40 : vector<97x32xf32>
    %swap3A = arith.constant 0 : index
    %swap3A_42 = arith.constant 0 : index
    %swap3A_43 = vector.load %arg5[%swap3A, %swap3A_42] : memref<97x32xf32, #tpu.memory_space<vmem>>, vector<97x32xf32>
    tpu.vector_store %arg5[%swap3A, %swap3A_42], %add3A_41 {strides = array<i32>} : memref<97x32xf32, #tpu.memory_space<vmem>>, vector<97x32xf32>,
    %eq3A_44 = arith.constant 3 : i32
    %eq3A_45 = arith.cmpi eq, %add3A, %eq3A_44 : i32
    %convert_element_type3A_46 = arith.extui %eq3A_45 : i1 to i32
    %cond3A_47 = arith.constant 0 : i32
    %cond3A_48 = arith.cmpi ne, %convert_element_type3A_46, %cond3A_47 : i32
    scf.if %cond3A_48 {
      %get3A_49 = arith.constant 0 : index
      %get3A_50 = arith.constant 0 : index
      %get3A_51 = vector.load %arg5[%get3A_49, %get3A_50] : memref<97x32xf32, #tpu.memory_space<vmem>>, vector<97x32xf32>
      %swap3A_52 = arith.constant 0 : index
      %swap3A_53 = arith.constant 0 : index
      %swap3A_54 = vector.load %arg4[%swap3A_52, %swap3A_53] : memref<97x32xf32, #tpu.memory_space<vmem>>, vector<97x32xf32>
      tpu.vector_store %arg4[%swap3A_52, %swap3A_53], %get3A_51 {strides = array<i32>} : memref<97x32xf32, #tpu.memory_space<vmem>>, vector<97x32xf32>,
    } else {
    }
    return
  }
  func.func @transform_0(%arg0: i32, %arg1: i32) -> (i32, i32, i32, i32) {
    %c0_i32 = arith.constant 0 : i32
    %c0_i32_0 = arith.constant 0 : i32
    %c0_i32_1 = arith.constant 0 : i32
    %c0_i32_2 = arith.constant 0 : i32
    return %arg0, %c0_i32, %c0_i32_0, %c0_i32_1 : i32, i32, i32, i32
  }
  func.func @transform_1(%arg0: i32, %arg1: i32) -> (i32, i32, i32, i32) {
    %c0_i32 = arith.constant 0 : i32
    %c0_i32_0 = arith.constant 0 : i32
    %c0_i32_1 = arith.constant 0 : i32
    %c0_i32_2 = arith.constant 0 : i32
    return %arg0, %c0_i32, %c0_i32_0, %c0_i32_1 : i32, i32, i32, i32
  }
  func.func @transform_2(%arg0: i32, %arg1: i32) -> (i32, i32) {
    %c0_i32 = arith.constant 0 : i32
    %c0_i32_0 = arith.constant 0 : i32
    %c0_i32_1 = arith.constant 0 : i32
    return %c0_i32, %c0_i32_0 : i32, i32
  }
}

</mosaic_0001>

<sc_bundles>
// kernel: kernel.4.cloned.1.call-start
scs
__scs_entry_jumppad:
0x0: {  	(pc) =	sbr.rel $0x88, $3  }
0x1: {  	(tag) =	ssettag $0x0;
	lr =	simm.s32 $0x1  }
0x2: {  	[smem:$0x3F9E] =	sst lr;
	_ =	strace $0xD0000000  }
0x3: {  	_ = 	snop  }
0x4: {  	_ = 	snop  }
0x5: {  	_ = 	snop  }
0x6: {  	_ = 	snop  }
0x7: {  	_ = 	snop  }
__scs_overlays_trampoline_lowered:
0x8: {  	[smem:$0x3FAD] =	sst s0  }
0x9: {  	[smem:$0x3FAE] =	sst s1  }
0xa: {  	[smem:$0x3FAF] =	sst s2  }
0xb: {  	[smem:$0x3FB0] =	sst s3  }
0xc: {  	[smem:$0x3FB1] =	sst s4  }
0xd: {  	[smem:$0x3FB2] =	sst s5  }
0xe: {  	[smem:$0x3FB3] =	sst s6  }
0xf: {  	[smem:$0x3FB4] =	sst s7  }
0x10: {  	[smem:$0x3FB5] =	sst s8  }
0x11: {  	[smem:$0x3FB6] =	sst s9;
	s0 =	simm.s32 @!p0 $0x0  }
0x12: {  	s1 =	sld [smem:$0x3F9C];
	s0 =	simm.s32 @p0 $0x1  }
0x13: {  	[smem:$0x3FB7] =	sst s0;
	s0 =	simm.s32 @!p1 $0x0  }
0x14: {  	s2 =	sld [smem:$0x3F9B];
	s0 =	simm.s32 @p1 $0x1  }
0x15: {  	[smem:$0x3FB8] =	sst s0;
	s0 =	simm.s32 @!p2 $0x0  }
0x16: {  	s3 =	sld [smem:$0x3FDB];
	s0 =	simm.s32 @p2 $0x1  }
0x17: {  	s4 =	simm.s32 $0x1BF5;
	[smem:$0x3FBA] =	sst s0  }
0x18: {  	s0 =	sld [smem:$0x3F9D];
	_ =	swait.ge [sflag:s4], $0x0  }
0x19: {  	s7 =	sld [smem:$0x3F9E]  }
0x1a: {  	s8 =	sadd.s32 $0xFFFFE003, lr  }
0x1b: {  	s9 =	sadd.s32 $0xFFFFFEF7, lr;
	s5 =	simm.s32 $0xFFFFFFFF;
	p2 =	slt.u32 s8, $0xFFFFF086  }
0x1c: {  	p1 =	slt.u32 s9, $0xF7A;
	s5 =	simm.s32 @!p2 $0x0  }
0x1d: {  	s5 =	simm.s32 @p1 $0x1;
	p0 =	seq.s32 s7, s2  }
0x1e: {  	s7 =	smul.u32 @!p0 $0xF7A, s2;
	p2 =	seq.s32 @!p0 s5, $0x0  }
0x1f: {  	s9 =	smul.u32 $0xF7A, s1;
	s8 =	simm.s32 @!p0 $0x1BF5;
	p2 =	por !p2, p0  }
0x20: {  	[sflag:s8] =	ssyncset.s32 @!p0 $0xFFFFF086;
	s6 =	sadd.s32 @!p0 s3, s7;
	s7 =	simm.s32 @!p0 $0x108  }
0x21: {  	s3 =	sadd.s32 s3, s9;
	s6 =	sadd.s32 @!p0 $0x88, s6;
	s7 =	simm.s32 @p2 $0x1082  }
0x22: {  	[simem:s7], [sflag:s8] =	dma.local @!p0 [hbm:s6], $0xF7A  }
0x23: {  	s9 =	sor.u32 $0xD0000000, s2;
	s6 =	simm.s32 $0x108;
	_ =	swait.ge @!p0 [sflag:s8], $0x0  }
0x24: {  	s3 =	sadd.s32 $0x88, s3;
	s6 =	simm.s32 @!p1 $0x1082;
	[sflag:s4] =	ssyncset.s32 $0xFFFFF086  }
0x25: {  	[simem:s6], [sflag:s4] =	dma.local [hbm:s3], $0xF7A  }
0x26: {  	[smem:$0x3F9E] =	sst s1;
	(tag) =	ssettag s2;
	_ =	strace s9  }
0x27: {  	s1 =	sld [smem:$0x3FAE]  }
0x28: {  	s2 =	sld [smem:$0x3FAF]  }
0x29: {  	s4 =	sld [smem:$0x3FB1]  }
0x2a: {  	p0 =	seq.s32 s5, $0x0;
	s5 =	sld [smem:$0x3FB2]  }
0x2b: {  	s6 =	sld [smem:$0x3FB3]  }
0x2c: {  	s7 =	sld [smem:$0x3FB4]  }
0x2d: {  	s3 =	simm.s32 $0x108;
	s8 =	sld [smem:$0x3FB5]  }
0x2e: {  	s3 =	simm.s32 @!p0 $0x1082;
	s9 =	sld [smem:$0x3FB6]  }
0x2f: {  	lr =	sadd.s32 s0, s3;
	s0 =	sld [smem:$0x3FAD]  }
0x30: {  	s3 =	sld [smem:$0x3FB0]  }
0x31: {  	[smem:$0x3FB9] =	sst s10  }
0x32: {  	s10 =	sld [smem:$0x3FB7];
	_ =	sdelay $0x3  }
0x33: {  	p0 =	seq.s32 s10, $0x1;
	s10 =	sld [smem:$0x3FB9];
	_ =	sdelay $0x3  }
0x34: {  	[smem:$0x3FB9] =	sst s10  }
0x35: {  	s10 =	sld [smem:$0x3FB8];
	_ =	sdelay $0x3  }
0x36: {  	p1 =	seq.s32 s10, $0x1;
	s10 =	sld [smem:$0x3FB9];
	_ =	sdelay $0x3  }
0x37: {  	[smem:$0x3FB9] =	sst s10  }
0x38: {  	s10 =	sld [smem:$0x3FBA]  }
0x39: {  	_ = 	snop;
	(pc) =	sbr.ind lr, $3  }
0x3a: {  	_ = 	snop  }
0x3b: {  	_ = 	snop  }
0x3c: {  	p2 =	seq.s32 s10, $0x1;
	s10 =	sld [smem:$0x3FB9]  }
0x3d: {  	_ =	shalt  }
0x3e: {  	_ =	shalt  }
0x3f: {  	_ =	shalt  }
0x40: {  	_ =	shalt  }
0x41: {  	_ =	shalt  }
0x42: {  	_ =	shalt  }
0x43: {  	_ =	shalt  }
0x44: {  	_ =	shalt  }
0x45: {  	_ =	shalt  }
0x46: {  	_ =	shalt  }
0x47: {  	_ =	shalt  }
0x48: {  	_ =	shalt  }
0x49: {  	_ =	shalt  }
0x4a: {  	_ =	shalt  }
0x4b: {  	_ =	shalt  }
0x4c: {  	_ =	shalt  }
0x4d: {  	_ =	shalt  }
0x4e: {  	_ =	shalt  }
0x4f: {  	_ =	shalt  }
0x50: {  	_ =	shalt  }
0x51: {  	_ =	shalt  }
0x52: {  	_ =	shalt  }
0x53: {  	_ =	shalt  }
0x54: {  	_ =	shalt  }
0x55: {  	_ =	shalt  }
0x56: {  	_ =	shalt  }
0x57: {  	_ =	shalt  }
0x58: {  	_ =	shalt  }
0x59: {  	_ =	shalt  }
0x5a: {  	_ =	shalt  }
0x5b: {  	_ =	shalt  }
0x5c: {  	_ =	shalt  }
0x5d: {  	_ =	shalt  }
0x5e: {  	_ =	shalt  }
0x5f: {  	_ =	shalt  }
0x60: {  	_ =	shalt  }
0x61: {  	_ =	shalt  }
0x62: {  	_ =	shalt  }
0x63: {  	_ =	shalt  }
0x64: {  	_ =	shalt  }
0x65: {  	_ =	shalt  }
0x66: {  	_ =	shalt  }
0x67: {  	_ =	shalt  }
0x68: {  	_ =	shalt  }
0x69: {  	_ =	shalt  }
0x6a: {  	_ =	shalt  }
0x6b: {  	_ =	shalt  }
0x6c: {  	_ =	shalt  }
0x6d: {  	_ =	shalt  }
0x6e: {  	_ =	shalt  }
0x6f: {  	_ =	shalt  }
0x70: {  	_ =	shalt  }
0x71: {  	_ =	shalt  }
0x72: {  	_ =	shalt  }
0x73: {  	_ =	shalt  }
0x74: {  	_ =	shalt  }
0x75: {  	_ =	shalt  }
0x76: {  	_ =	shalt  }
0x77: {  	_ =	shalt  }
0x78: {  	_ =	shalt  }
0x79: {  	_ =	shalt  }
0x7a: {  	_ =	shalt  }
0x7b: {  	_ =	shalt  }
0x7c: {  	_ =	shalt  }
0x7d: {  	_ =	shalt  }
0x7e: {  	_ =	shalt  }
0x7f: {  	_ =	shalt  }
0x80: {  	_ =	shalt  }
0x81: {  	_ =	shalt  }
0x82: {  	_ =	shalt  }
0x83: {  	_ =	shalt  }
0x84: {  	_ =	shalt  }
0x85: {  	_ =	shalt  }
0x86: {  	_ =	shalt  }
0x87: {  	_ =	shalt  }
.Lfunc_end0:
.L_simem_size_0:
called_computation_lowered:
.L_overlay_start_0:
0x88: {  	s2 =	sld [smem:$0x3FD9]  }
0x89: {  	s3 =	sld [smem:$0x3FFE];
	_ =	sdelay $0x1  }
0x8a: {  	s1 =	srdreg.scid  }
0x8b: {  	s0 =	sand.u32 $0x1, s1  }
0x8c: {  	s17 =	sshll.u32 s0, $0xA;
	s2 =	sadd.s32 s3, s2  }
0x8d: {  	s2 =	sadd.s32 s2, s17  }
0x8e: {  	[smem:$0x3FC5] =	sst s2  }
0x8f: {  	_ = 	snop  }
0x90: {  	s2 =	sld [smem:$0x3FC8];
	(tm) =	ssettm $0x1  }
0x91: {  	s18 =	sld [smem:$0x3FFB];
	_ =	sdelay $0x3  }
0x92: {  	_ =	strace s18  }
0x93: {  	s3 =	sld [smem:$0x3FFC];
	_ =	sdelay $0x3  }
0x94: {  	_ =	strace s3  }
0x95: {  	s3 =	sld [smem:$0x3FFD];
	_ =	sdelay $0x3  }
0x96: {  	_ =	strace s3  }
0x97: {  	_ =	strace $0x8FFFFFFF  }
0x98: {  	s19 =	sld [smem:$0x3FDB];
	_ =	sdelay $0x1  }
0x99: {  	s4 =	simm.s32 $_scs_section_size  }
0x9a: {  	s5 =	simm.s32 $_size__tile_overlayer_lowered;
	s6 =	simm.s32 $_tile_overlayer_lowered  }
0x9b: {  	s22 =	simm.s32 $0x1BFF;
	s21 =	sshll.u32 s6, $0x1;
	s3 =	sadd.s32 s4, s19  }
0x9c: {  	s7 =	simm.s32 $0x0;
	s20 =	sshll.u32 s5, $0x1;
	s5 =	sadd.s32 s21, s3  }
0x9d: {  	[timem:s7], [sflag:s22] =	dma.local [hbm:s5], s20  }
0x9e: {  	_ =	swait.ge [sflag:s22], s20  }
0x9f: {  	s4 =	ssub.s32 $0x0, s20;
	[sflag:s22] =	ssyncset.done $0x0  }
0xa0: {  	[sflag:s22] =	ssyncadd.s32 s4;
	_ =	sdelay $0x1  }
0xa1: {  	s23 =	simm.s32 $0x1B8B  }
0xa2: {  	_ =	swait.ge [sflag:s23], $0x1  }
0xa3: {  	[sflag:s23] =	ssyncset.done $0x0  }
0xa4: {  	s25 =	simm.s32 $0x1B8E;
	s24 =	sld [smem:$0x3FFE];
	[sflag:s23] =	ssyncadd.s32 $0xFFFFFFFF  }
0xa5: {  	s26 =	simm.s32 $execute0_lowered;
	[smem:$0x3FD2] =	sst s25  }
0xa6: {  	s5 =	sshll.u32 s26, $0x1;
	_ =	strace $0x80000046;
	[dreg:$0x1] =	wrdreg $0xFFFFFFFF  }
0xa7: {  	s28 =	simm.s32 $_size_execute0_lowered;
	s3 =	sadd.s32 s3, s5;
	[dreg:$0x0] =	wrdreg $0x0  }
0xa8: {  	s5 =	sshll.u32 s28, $0x1;
	[dreg:$0x2] =	wrdreg s3  }
0xa9: {  	[dreg:$0x3] =	wrdreg s5  }
0xaa: {  	[dreg:$0x4] =	wrdreg $0xC0  }
0xab: {  	_ =	task [dreg:s7], $0x5FFFF  }
0xac: {  	[dreg:$0x1] =	wrdreg $0xFFFFFFFF  }
0xad: {  	[dreg:$0x0] =	wrdreg $0x60  }
0xae: {  	[dreg:$0x2] =	wrdreg s2  }
0xaf: {  	[dreg:$0x3] =	wrdreg s24  }
0xb0: {  	[dreg:$0x4] =	wrdreg $0x9  }
0xb1: {  	_ =	task.clear_ibuf [dreg:s7], $0x5FFFF;
	_ =	strace $0x90000046  }
0xb2: {  	s29 =	simm.s32 $0x9;
	_ =	strace $0x80000048  }
0xb3: {  	_ =	swait.ge [sflag:s29], $0x1  }
0xb4: {  	[sflag:s29] =	ssyncadd.s32 $0xFFFFFFFF  }
0xb5: {  	_ =	strace $0x90000048  }
0xb6: {  	_ =	sfence  }
0xb7: {  	s30 =	sld [smem:$0x0];
	_ =	sdelay $0x2  }
0xb8: {  	s31 =	sshll.u32 s1, $0xD;
	s1 =	sshrl.u32 s1, $0x2  }
0xb9: {  	s3 =	sand.u32 $0x4000, s31;
	s1 =	sadd.s32 s1, s30  }
0xba: {  	s0 =	sor.u32 s3, s0;
	s1 =	sshll.u32 s1, $0x11  }
0xbb: {  	s0 =	sor.u32 s1, s0  }
0xbc: {  	s0 =	sadd.s32 $0x8F2B, s0  }
0xbd: {  	[sflag:s0] =	ssyncadd.remote.s32 $0x1  }
0xbe: {  	_ =	sfence.sel $0xFFFF  }
0xbf: {  	[dreg:$0x0] =	wrdreg $0xFFFFFFFF;
	(pc) =	sbr.abs _section_cstart, $3  }
0xc0: {  	[dreg:$0x1] =	wrdreg $0xFFFFFFFF  }
0xc1: {  	_ =	task.clear_ibuf [dreg:s7], $0x2FFFF;
	_ =	strace $0x9FFFFFFF  }
0xc2: {  	(tm) =	ssettm $0x7FFFFFFF  }
0xc3: {  	_ =	shalt  }
tec
execute0_lowered:
.L_overlay_start_1:
0x0: {  	(tag) =	ssettag $0x1  }
0x1: {  	s3 =	rddreg [dreg:$0x0]  }
0x2: {  	s4 =	rddreg [dreg:$0x1]  }
0x3: {  	s0 =	rddreg [dreg:$0x2];
	s5 =	srdreg.scid  }
0x4: {  	s2 =	simm.s32 $0x0;
	s1 =	stileid.u32;
	s5 =	sand.u32 $0x1, s5  }
0x5: {  	[smem:$0x7FF] =	sst s2;
	s7 =	sshll.u32 s1, $0x1;
	s6 =	ssub.s32 $0x2, s5  }
0x6: {  	_ =	strace $0x80000047;
	s5 =	sor.u32 s5, s7;
	s8 =	sshrl.u32 s6, $0x1  }
0x7: {  	s7 =	sshll.u32 s5, $0x9;
	s5 =	sshll.u32 s5, $0x4;
	s6 =	ssub.s32 s6, s8  }
0x8: {  	s3 =	sadd.s32 s3, s7;
	s4 =	sadd.s32 s4, s5;
	s7 =	simm.s32 $0x1000  }
0x9: {  	v0 =	vimm.f32 $0.0e+00;
	v1 =	vimm.f32 $1.000000000e+00;
	s8 =	simm.s32 $0x0;
	s5 =	smax.u32 s6, $0x1;
	s6 =	simm.s32 $0x1  }
.LBB2_1:
0xa: {  	[tilespmem:s2], [sflag:$0x1] =	stream.linear.gather [hbm4b:s3+s2], $0x1000, $0x38;
	[tilespmem:$0x1080] =	vst v63  }
0xb: {  	_ =	swait.ge [sflag:s6], $0x1000  }
0xc: {  	[sflag:s6] =	ssyncset.done $0x0  }
0xd: {  	[sflag:s6] =	ssyncadd.s32 $0xFFFFF000  }
0xe: {  	[tilespmem:$0x1000] =	vst v0  }
0xf: {  	[tilespmem:$0x1010] =	vst v0  }
0x10: {  	[tilespmem:$0x1020] =	vst v0  }
0x11: {  	[tilespmem:$0x1030] =	vst v0  }
0x12: {  	[tilespmem:$0x1040] =	vst v0  }
0x13: {  	[tilespmem:$0x1050] =	vst v0  }
0x14: {  	[tilespmem:$0x1060] =	vst v0  }
0x15: {  	s10 =	simm.s32 $0x0;
	s9 =	simm.s32 $0x40;
	[tilespmem:$0x1070] =	vst v0  }
.LBB2_2:
0x16: {  	p0 =	sne.s32 s9, $0x3FC0;
	v2 =	vld [tilespmem:s10+$0x0];
	_ =	sdelay $0x3  }
.Ltmp0:
0x17: {  	(pc) =	sbr.rel @p0 .LBB2_2-.Ltmp0, $2  }
0x18: {  	_ =	sdelay $0x2  }
0x19: {  	s10 =	sshra.s32 s9, $0x2;
	s9 =	sadd.s32 $0x40, s9;
	[tilespmem:v2+s7+$0x0] =	vst.idx.add.f32.msk $0xffff, v1  }
0x1a: {  	v2 =	vld [tilespmem:s10+$0x0];
	_ =	sdelay $0x5  }
0x1b: {  	s8 =	sadd.s32 $0x1, s8  }
0x1c: {  	p0 =	sne.s32 s8, s5  }
.Ltmp1:
0x1d: {  	[tilespmem:v2+s7+$0x0] =	vst.idx.add.f32.msk $0xffff, v1;
	(pc) =	sbr.rel @p0 .LBB2_1-.Ltmp1, $4  }
0x1e: {  	[hbm4b:s4+s2] =	stream.linear.scatter [tilespmem:s7], [sflag:$0x1], $0x80, $0x38;
	[tilespmem:$0x1080] =	vst v63  }
0x1f: {  	_ =	swait.ge [sflag:s6], $0x80  }
0x20: {  	[sflag:s6] =	ssyncset.done $0x0  }
0x21: {  	[sflag:s6] =	ssyncadd.s32 $0xFFFFFF80  }
0x22: {  	_ =	sfence.sel $0x180000  }
0x23: {  	[bflag:$0x0] =	sbarrier.arrive $0xFFFF  }
0x24: {  	p0 =	sne.s32 s1, $0x0;
	_ =	strace $0x90000047  }
0x25: {  	s0 =	sadd.s32 @!p0 $0x100000, s0;
	[bflag:$0x2] =	sbarrier.arrive $0xFFFF  }
0x26: {  	[sflag:s0] =	ssyncadd.tile.s32 @!p0 $0x1;
	_ =	shalt  }
.Lfunc_end2:
_tile_overlayer_lowered:
.L_overlay_start_2:
0x27: {  	(tag) =	ssettag $0x2  }
0x28: {  	s0 =	rddreg [dreg:$0x0];
	s2 =	stileid.u32  }
0x29: {  	s1 =	rddreg [dreg:$0x1];
	p0 =	sne.s32 s2, $0x0  }
0x2a: {  	s3 =	rddreg [dreg:$0x2];
	[bflag:$0x3] =	sbarrier.arrive $0xFFFF;
	s2 =	simm.s32 @!p0 $0x1C01  }
0x2b: {  	[timem:s3], [sflag:s2] =	dma.local @!p0 [hbm:s0], s1  }
0x2c: {  	s0 =	simm.s32 @!p0 $0x1  }
0x2d: {  	_ =	swait.ge @!p0 [sflag:s0], s1  }
0x2e: {  	s1 =	ssub.s32 @!p0 $0x0, s1;
	[sflag:s0] =	ssyncset.done @!p0 $0x0  }
0x2f: {  	[sflag:s0] =	ssyncadd.s32 @!p0 s1  }
0x30: {  	[bflag:$0x3] =	sbarrier.arrive $0xFFFF  }
0x31: {  	_ =	shalt  }

</sc_bundles>
